<compile_context>
chip_gen: v7x
topology: tpu7x:2x2x1
jax: 0.10.2.dev20260603
libtpu: 0.0.44.dev20260713+nightly
codegen_flags: <defaults>
</compile_context>

<pallas_src>
import functools

import jax
import jax.numpy as jnp
from jax import lax
from jax.experimental import pallas as pl
from jax.experimental.pallas import tpu as pltpu
from jax.experimental.pallas import tpu_sc as plsc

BATCH = 4096
DIM = 4096
NUM_CORES = 2
NUM_SUBCORES = 16
NUM_WORKERS = NUM_CORES * NUM_SUBCORES
BPW = BATCH // NUM_WORKERS
CHUNK = 8
NCHUNK = BPW // CHUNK

_MESH = plsc.VectorSubcoreMesh(
    core_axis_name="c", subcore_axis_name="s",
    num_cores=NUM_CORES, num_subcores=NUM_SUBCORES)


@functools.partial(
    pl.kernel,
    out_type=(
        jax.ShapeDtypeStruct((BATCH, DIM), jnp.float32),
        jax.ShapeDtypeStruct((BATCH, DIM), jnp.float32),
    ),
    mesh=_MESH,
    scratch_types=[
        pltpu.VMEM((BPW,), jnp.int32),
        pltpu.VMEM((BPW,), jnp.int32),
        pltpu.VMEM((CHUNK, DIM), jnp.float32),
        pltpu.VMEM((CHUNK, DIM), jnp.float32),
        pltpu.SemaphoreType.DMA,
        pltpu.SemaphoreType.DMA,
        pltpu.SemaphoreType.DMA,
        pltpu.SemaphoreType.DMA,
    ],
)
def _gather2(users_hbm, items_hbm, u_tab, i_tab, u_out, i_out,
             uidx, iidx, ubuf, ibuf, ugsem, igsem, ussem, issem):
    wid = lax.axis_index("s") * NUM_CORES + lax.axis_index("c")
    base = wid * BPW
    pltpu.sync_copy(users_hbm.at[pl.ds(base, BPW)], uidx)
    pltpu.sync_copy(items_hbm.at[pl.ds(base, BPW)], iidx)

    def gstart(tab, idx, buf, sem, c):
        pltpu.async_copy(tab.at[idx.at[pl.ds(c * CHUNK, CHUNK)]], buf, sem)

    def gwait(buf, sem):
        pltpu.make_async_copy(u_tab.at[pl.ds(0, CHUNK)], buf, sem).wait()

    def sstart(out, buf, sem, c):
        pltpu.async_copy(buf, out.at[pl.ds(base + c * CHUNK, CHUNK)], sem)

    def swait(out, buf, sem):
        pltpu.make_async_copy(buf, out.at[pl.ds(base, CHUNK)], sem).wait()

    gstart(u_tab, uidx, ubuf, ugsem, 0)
    gstart(i_tab, iidx, ibuf, igsem, 0)

    @pl.loop(0, NCHUNK - 1)
    def _steady(c):
        gwait(ubuf, ugsem)
        sstart(u_out, ubuf, ussem, c)
        gwait(ibuf, igsem)
        sstart(i_out, ibuf, issem, c)
        swait(u_out, ubuf, ussem)
        gstart(u_tab, uidx, ubuf, ugsem, c + 1)
        swait(i_out, ibuf, issem)
        gstart(i_tab, iidx, ibuf, igsem, c + 1)

    gwait(ubuf, ugsem)
    sstart(u_out, ubuf, ussem, NCHUNK - 1)
    gwait(ibuf, igsem)
    sstart(i_out, ibuf, issem, NCHUNK - 1)
    swait(u_out, ubuf, ussem)
    swait(i_out, ibuf, issem)


def kernel(users, items, user_table, item_table):
    u_repr, i_repr = _gather2(users, items, user_table, item_table)
    return (u_repr, i_repr)

# --- scband reference (transcript-rebuilt; emitter-appended) ---
"""Pipeline reference for scband-deep-mfmodel-24584392802658 (READ-ONLY COPY).

The authoritative reference and input builder live on the scoring server;
editing this copy changes nothing except your own understanding.
"""

import jax, jax.numpy as jnp
import numpy as np

NUM_USERS = 4096
NUM_ITEMS = 4096
BATCH = 4096


def setup_inputs(seed: int = 0) -> dict:
    key = jax.random.key(seed)
    k1, k2, k3, k4, k5 = jax.random.split(key, 5)
    users = jax.random.randint(k1, (BATCH,), 0, NUM_USERS, dtype=jnp.int32)
    items = jax.random.randint(k2, (BATCH,), 0, NUM_ITEMS, dtype=jnp.int32)
    # Simulate the sparse rating matrix sp_i_train_ratings.toarray():
    # ~2% density, ratings in [1, 5].
    mask = (jax.random.uniform(k3, (NUM_USERS, NUM_ITEMS)) < 0.02).astype(jnp.float32)
    ratings = jax.random.randint(k4, (NUM_USERS, NUM_ITEMS), 1, 6).astype(jnp.float32)
    user_table = mask * ratings  # Embedding.from_pretrained(sp.toarray())
    item_table = user_table.T    # Embedding.from_pretrained(sp.T.toarray())
    return {"users": users, "items": items, "user_table": user_table, "item_table": item_table}


def reference(users, items, user_table, item_table):
    # forward(inputs=(users, items)):
    #   u_repr = user_embedding(users)  -> row gather from the ratings matrix
    #   i_repr = item_embedding(items)  -> row gather from the transposed matrix
    u_repr = jnp.take(user_table, users, axis=0)
    i_repr = jnp.take(item_table, items, axis=0)
    return (u_repr, i_repr)

if __name__ == "__main__":
    import jax
    _d = setup_inputs()
    print(jax.jit(kernel)(*tuple(_d.values())))

</pallas_src>

<mosaic_0001>
#map = affine_map<(d0, d1) -> (0)>
#map1 = affine_map<(d0, d1) -> (0, 0)>
module attributes {stable_mosaic.version = 14 : i64} {
  func.func @_gather2(%arg0: i32, %arg1: i32, %arg2: memref<4096xi32, #tpu.memory_space<hbm>>, %arg3: memref<4096xi32, #tpu.memory_space<hbm>>, %arg4: memref<4096x4096xf32, #tpu.memory_space<hbm>>, %arg5: memref<4096x4096xf32, #tpu.memory_space<hbm>>, %arg6: memref<4096x4096xf32, #tpu.memory_space<hbm>>, %arg7: memref<4096x4096xf32, #tpu.memory_space<hbm>>, %arg8: memref<128xi32, #tpu.memory_space<vmem>>, %arg9: memref<128xi32, #tpu.memory_space<vmem>>, %arg10: memref<8x4096xf32, #tpu.memory_space<vmem>>, %arg11: memref<8x4096xf32, #tpu.memory_space<vmem>>, %arg12: memref<!tpu.dma_semaphore, #tpu.memory_space<semaphore_mem>>, %arg13: memref<!tpu.dma_semaphore, #tpu.memory_space<semaphore_mem>>, %arg14: memref<!tpu.dma_semaphore, #tpu.memory_space<semaphore_mem>>, %arg15: memref<!tpu.dma_semaphore, #tpu.memory_space<semaphore_mem>>) attributes {dimension_semantics = [#tpu.dimension_semantics<core_parallel>, #tpu.dimension_semantics<subcore_parallel>], iteration_bounds = array<i64: 2, 16>, scalar_prefetch = 0 : i64, scratch_operands = 8 : i64, tpu.core_type = #tpu.core_type<sc_vector_subcore>, window_params = [{transform_indices = #map}, {transform_indices = #map}, {transform_indices = #map1}, {transform_indices = #map1}, {transform_indices = #map1}, {transform_indices = #map1}]} {
    %mul3A = arith.constant 2 : i32
    %mul3A_0 = arith.muli %arg1, %mul3A : i32
    %add3A = arith.addi %mul3A_0, %arg0 : i32
    %mul3A_1 = arith.constant 128 : i32
    %mul3A_2 = arith.muli %add3A, %mul3A_1 : i32
    "tpu.region"() ({
      %run_scoped3A = tpu.sem_alloc : memref<!tpu.dma_semaphore, #tpu.memory_space<semaphore_mem>>
      %dma_start3A_47 = tpu.memref_slice %arg2[%mul3A_2] : memref<4096xi32, #tpu.memory_space<hbm>> -> memref<128xi32, #tpu.memory_space<hbm>>
      %dma_start3A_48 = tpu.memref_slice %arg2[%mul3A_2] : memref<4096xi32, #tpu.memory_space<hbm>> -> memref<128xi32, #tpu.memory_space<hbm>>
      tpu.enqueue_dma source(%dma_start3A_48 : memref<128xi32, #tpu.memory_space<hbm>>) target(%arg8 : memref<128xi32, #tpu.memory_space<vmem>>) target_semaphore(%run_scoped3A : memref<!tpu.dma_semaphore, #tpu.memory_space<semaphore_mem>>)
      %dma_wait3A_49 = tpu.memref_slice %arg2[%mul3A_2] : memref<4096xi32, #tpu.memory_space<hbm>> -> memref<128xi32, #tpu.memory_space<hbm>>
      %dma_wait3A_50 = tpu.memref_slice %arg2[%mul3A_2] : memref<4096xi32, #tpu.memory_space<hbm>> -> memref<128xi32, #tpu.memory_space<hbm>>
      tpu.wait_dma2 semaphore(%run_scoped3A : memref<!tpu.dma_semaphore, #tpu.memory_space<semaphore_mem>>) src(%dma_wait3A_50 : memref<128xi32, #tpu.memory_space<hbm>>) dst(%arg8 : memref<128xi32, #tpu.memory_space<vmem>>)
      tpu.yield
    }) : () -> ()
    "tpu.region"() ({
      %run_scoped3A = tpu.sem_alloc : memref<!tpu.dma_semaphore, #tpu.memory_space<semaphore_mem>>
      %dma_start3A_47 = tpu.memref_slice %arg3[%mul3A_2] : memref<4096xi32, #tpu.memory_space<hbm>> -> memref<128xi32, #tpu.memory_space<hbm>>
      %dma_start3A_48 = tpu.memref_slice %arg3[%mul3A_2] : memref<4096xi32, #tpu.memory_space<hbm>> -> memref<128xi32, #tpu.memory_space<hbm>>
      tpu.enqueue_dma source(%dma_start3A_48 : memref<128xi32, #tpu.memory_space<hbm>>) target(%arg9 : memref<128xi32, #tpu.memory_space<vmem>>) target_semaphore(%run_scoped3A : memref<!tpu.dma_semaphore, #tpu.memory_space<semaphore_mem>>)
      %dma_wait3A_49 = tpu.memref_slice %arg3[%mul3A_2] : memref<4096xi32, #tpu.memory_space<hbm>> -> memref<128xi32, #tpu.memory_space<hbm>>
      %dma_wait3A_50 = tpu.memref_slice %arg3[%mul3A_2] : memref<4096xi32, #tpu.memory_space<hbm>> -> memref<128xi32, #tpu.memory_space<hbm>>
      tpu.wait_dma2 semaphore(%run_scoped3A : memref<!tpu.dma_semaphore, #tpu.memory_space<semaphore_mem>>) src(%dma_wait3A_50 : memref<128xi32, #tpu.memory_space<hbm>>) dst(%arg9 : memref<128xi32, #tpu.memory_space<vmem>>)
      tpu.yield
    }) : () -> ()
    %dma_start3A = arith.constant 0 : i32
    %dma_start3A_3 = tpu.memref_slice %arg8[%dma_start3A] : memref<128xi32, #tpu.memory_space<vmem>> -> memref<8xi32, #tpu.memory_space<vmem>>
    %dma_start3A_4 = arith.constant 0 : i32
    %dma_start3A_5 = arith.constant 0 : i32
    %dma_start3A_6 = tpu.memref_slice %arg4[%dma_start3A_4, %dma_start3A_5] : memref<4096x4096xf32, #tpu.memory_space<hbm>> -> memref<4096x4096xf32, #tpu.memory_space<hbm>>
    tpu.enqueue_indirect_dma source(%dma_start3A_6 : memref<4096x4096xf32, #tpu.memory_space<hbm>>) target(%arg10 : memref<8x4096xf32, #tpu.memory_space<vmem>>) offsets(%dma_start3A_3 : memref<8xi32, #tpu.memory_space<vmem>>) semaphore(%arg12 : memref<!tpu.dma_semaphore, #tpu.memory_space<semaphore_mem>>)
    %dma_start3A_7 = arith.constant 0 : i32
    %dma_start3A_8 = tpu.memref_slice %arg9[%dma_start3A_7] : memref<128xi32, #tpu.memory_space<vmem>> -> memref<8xi32, #tpu.memory_space<vmem>>
    %dma_start3A_9 = arith.constant 0 : i32
    %dma_start3A_10 = arith.constant 0 : i32
    %dma_start3A_11 = tpu.memref_slice %arg5[%dma_start3A_9, %dma_start3A_10] : memref<4096x4096xf32, #tpu.memory_space<hbm>> -> memref<4096x4096xf32, #tpu.memory_space<hbm>>
    tpu.enqueue_indirect_dma source(%dma_start3A_11 : memref<4096x4096xf32, #tpu.memory_space<hbm>>) target(%arg11 : memref<8x4096xf32, #tpu.memory_space<vmem>>) offsets(%dma_start3A_8 : memref<8xi32, #tpu.memory_space<vmem>>) semaphore(%arg13 : memref<!tpu.dma_semaphore, #tpu.memory_space<semaphore_mem>>)
    %scan3A = arith.constant 0 : i32
    %scan3A_12 = arith.constant 15 : i32
    %scan3A_13 = arith.addi %scan3A, %scan3A_12 : i32
    %scan3A_14 = arith.constant 1 : i32
    scf.for %scan3A_47 = %scan3A to %scan3A_13 step %scan3A_14  : i32 {
      %mul3A_48 = arith.constant 1 : i32
      %mul3A_49 = arith.muli %scan3A_47, %mul3A_48 : i32
      %add3A_50 = arith.constant 0 : i32
      %add3A_51 = arith.addi %add3A_50, %mul3A_49 : i32
      %dma_wait3A_52 = arith.constant 0 : i32
      %dma_wait3A_53 = arith.constant 0 : i32
      %dma_wait3A_54 = tpu.memref_slice %arg4[%dma_wait3A_52, %dma_wait3A_53] : memref<4096x4096xf32, #tpu.memory_space<hbm>> -> memref<8x4096xf32, #tpu.memory_space<hbm>>
      %dma_wait3A_55 = arith.constant 0 : i32
      %dma_wait3A_56 = arith.constant 0 : i32
      %dma_wait3A_57 = tpu.memref_slice %arg4[%dma_wait3A_55, %dma_wait3A_56] : memref<4096x4096xf32, #tpu.memory_space<hbm>> -> memref<8x4096xf32, #tpu.memory_space<hbm>>
      tpu.wait_dma2 semaphore(%arg12 : memref<!tpu.dma_semaphore, #tpu.memory_space<semaphore_mem>>) src(%dma_wait3A_57 : memref<8x4096xf32, #tpu.memory_space<hbm>>) dst(%arg10 : memref<8x4096xf32, #tpu.memory_space<vmem>>)
      %mul3A_58 = arith.constant 8 : i32
      %mul3A_59 = arith.muli %add3A_51, %mul3A_58 : i32
      %add3A_60 = arith.addi %mul3A_2, %mul3A_59 : i32
      %dma_start3A_61 = arith.constant 0 : i32
      %dma_start3A_62 = tpu.memref_slice %arg6[%add3A_60, %dma_start3A_61] : memref<4096x4096xf32, #tpu.memory_space<hbm>> -> memref<8x4096xf32, #tpu.memory_space<hbm>>
      %dma_start3A_63 = arith.constant 0 : i32
      %dma_start3A_64 = tpu.memref_slice %arg6[%add3A_60, %dma_start3A_63] : memref<4096x4096xf32, #tpu.memory_space<hbm>> -> memref<8x4096xf32, #tpu.memory_space<hbm>>
      tpu.enqueue_dma source(%arg10 : memref<8x4096xf32, #tpu.memory_space<vmem>>) target(%dma_start3A_64 : memref<8x4096xf32, #tpu.memory_space<hbm>>) target_semaphore(%arg14 : memref<!tpu.dma_semaphore, #tpu.memory_space<semaphore_mem>>)
      %dma_wait3A_65 = arith.constant 0 : i32
      %dma_wait3A_66 = arith.constant 0 : i32
      %dma_wait3A_67 = tpu.memref_slice %arg4[%dma_wait3A_65, %dma_wait3A_66] : memref<4096x4096xf32, #tpu.memory_space<hbm>> -> memref<8x4096xf32, #tpu.memory_space<hbm>>
      %dma_wait3A_68 = arith.constant 0 : i32
      %dma_wait3A_69 = arith.constant 0 : i32
      %dma_wait3A_70 = tpu.memref_slice %arg4[%dma_wait3A_68, %dma_wait3A_69] : memref<4096x4096xf32, #tpu.memory_space<hbm>> -> memref<8x4096xf32, #tpu.memory_space<hbm>>
      tpu.wait_dma2 semaphore(%arg13 : memref<!tpu.dma_semaphore, #tpu.memory_space<semaphore_mem>>) src(%dma_wait3A_70 : memref<8x4096xf32, #tpu.memory_space<hbm>>) dst(%arg11 : memref<8x4096xf32, #tpu.memory_space<vmem>>)
      %mul3A_71 = arith.constant 8 : i32
      %mul3A_72 = arith.muli %add3A_51, %mul3A_71 : i32
      %add3A_73 = arith.addi %mul3A_2, %mul3A_72 : i32
      %dma_start3A_74 = arith.constant 0 : i32
      %dma_start3A_75 = tpu.memref_slice %arg7[%add3A_73, %dma_start3A_74] : memref<4096x4096xf32, #tpu.memory_space<hbm>> -> memref<8x4096xf32, #tpu.memory_space<hbm>>
      %dma_start3A_76 = arith.constant 0 : i32
      %dma_start3A_77 = tpu.memref_slice %arg7[%add3A_73, %dma_start3A_76] : memref<4096x4096xf32, #tpu.memory_space<hbm>> -> memref<8x4096xf32, #tpu.memory_space<hbm>>
      tpu.enqueue_dma source(%arg11 : memref<8x4096xf32, #tpu.memory_space<vmem>>) target(%dma_start3A_77 : memref<8x4096xf32, #tpu.memory_space<hbm>>) target_semaphore(%arg15 : memref<!tpu.dma_semaphore, #tpu.memory_space<semaphore_mem>>)
      %dma_wait3A_78 = arith.constant 0 : i32
      %dma_wait3A_79 = tpu.memref_slice %arg6[%mul3A_2, %dma_wait3A_78] : memref<4096x4096xf32, #tpu.memory_space<hbm>> -> memref<8x4096xf32, #tpu.memory_space<hbm>>
      %dma_wait3A_80 = arith.constant 0 : i32
      %dma_wait3A_81 = tpu.memref_slice %arg6[%mul3A_2, %dma_wait3A_80] : memref<4096x4096xf32, #tpu.memory_space<hbm>> -> memref<8x4096xf32, #tpu.memory_space<hbm>>
      tpu.wait_dma2 semaphore(%arg14 : memref<!tpu.dma_semaphore, #tpu.memory_space<semaphore_mem>>) src(%arg10 : memref<8x4096xf32, #tpu.memory_space<vmem>>) dst(%dma_wait3A_81 : memref<8x4096xf32, #tpu.memory_space<hbm>>)
      %add3A_82 = arith.constant 1 : i32
      %add3A_83 = arith.addi %add3A_51, %add3A_82 : i32
      %mul3A_84 = arith.constant 8 : i32
      %mul3A_85 = arith.muli %add3A_83, %mul3A_84 : i32
      %dma_start3A_86 = tpu.memref_slice %arg8[%mul3A_85] : memref<128xi32, #tpu.memory_space<vmem>> -> memref<8xi32, #tpu.memory_space<vmem>>
      %dma_start3A_87 = arith.constant 0 : i32
      %dma_start3A_88 = arith.constant 0 : i32
      %dma_start3A_89 = tpu.memref_slice %arg4[%dma_start3A_87, %dma_start3A_88] : memref<4096x4096xf32, #tpu.memory_space<hbm>> -> memref<4096x4096xf32, #tpu.memory_space<hbm>>
      tpu.enqueue_indirect_dma source(%dma_start3A_89 : memref<4096x4096xf32, #tpu.memory_space<hbm>>) target(%arg10 : memref<8x4096xf32, #tpu.memory_space<vmem>>) offsets(%dma_start3A_86 : memref<8xi32, #tpu.memory_space<vmem>>) semaphore(%arg12 : memref<!tpu.dma_semaphore, #tpu.memory_space<semaphore_mem>>)
      %dma_wait3A_90 = arith.constant 0 : i32
      %dma_wait3A_91 = tpu.memref_slice %arg7[%mul3A_2, %dma_wait3A_90] : memref<4096x4096xf32, #tpu.memory_space<hbm>> -> memref<8x4096xf32, #tpu.memory_space<hbm>>
      %dma_wait3A_92 = arith.constant 0 : i32
      %dma_wait3A_93 = tpu.memref_slice %arg7[%mul3A_2, %dma_wait3A_92] : memref<4096x4096xf32, #tpu.memory_space<hbm>> -> memref<8x4096xf32, #tpu.memory_space<hbm>>
      tpu.wait_dma2 semaphore(%arg15 : memref<!tpu.dma_semaphore, #tpu.memory_space<semaphore_mem>>) src(%arg11 : memref<8x4096xf32, #tpu.memory_space<vmem>>) dst(%dma_wait3A_93 : memref<8x4096xf32, #tpu.memory_space<hbm>>)
      %add3A_94 = arith.constant 1 : i32
      %add3A_95 = arith.addi %add3A_51, %add3A_94 : i32
      %mul3A_96 = arith.constant 8 : i32
      %mul3A_97 = arith.muli %add3A_95, %mul3A_96 : i32
      %dma_start3A_98 = tpu.memref_slice %arg9[%mul3A_97] : memref<128xi32, #tpu.memory_space<vmem>> -> memref<8xi32, #tpu.memory_space<vmem>>
      %dma_start3A_99 = arith.constant 0 : i32
      %dma_start3A_100 = arith.constant 0 : i32
      %dma_start3A_101 = tpu.memref_slice %arg5[%dma_start3A_99, %dma_start3A_100] : memref<4096x4096xf32, #tpu.memory_space<hbm>> -> memref<4096x4096xf32, #tpu.memory_space<hbm>>
      tpu.enqueue_indirect_dma source(%dma_start3A_101 : memref<4096x4096xf32, #tpu.memory_space<hbm>>) target(%arg11 : memref<8x4096xf32, #tpu.memory_space<vmem>>) offsets(%dma_start3A_98 : memref<8xi32, #tpu.memory_space<vmem>>) semaphore(%arg13 : memref<!tpu.dma_semaphore, #tpu.memory_space<semaphore_mem>>)
    }
    %scan3A_15 = arith.constant 15 : i32
    %dma_wait3A = arith.constant 0 : i32
    %dma_wait3A_16 = arith.constant 0 : i32
    %dma_wait3A_17 = tpu.memref_slice %arg4[%dma_wait3A, %dma_wait3A_16] : memref<4096x4096xf32, #tpu.memory_space<hbm>> -> memref<8x4096xf32, #tpu.memory_space<hbm>>
    %dma_wait3A_18 = arith.constant 0 : i32
    %dma_wait3A_19 = arith.constant 0 : i32
    %dma_wait3A_20 = tpu.memref_slice %arg4[%dma_wait3A_18, %dma_wait3A_19] : memref<4096x4096xf32, #tpu.memory_space<hbm>> -> memref<8x4096xf32, #tpu.memory_space<hbm>>
    tpu.wait_dma2 semaphore(%arg12 : memref<!tpu.dma_semaphore, #tpu.memory_space<semaphore_mem>>) src(%dma_wait3A_20 : memref<8x4096xf32, #tpu.memory_space<hbm>>) dst(%arg10 : memref<8x4096xf32, #tpu.memory_space<vmem>>)
    %add3A_21 = arith.constant 120 : i32
    %add3A_22 = arith.addi %mul3A_2, %add3A_21 : i32
    %dma_start3A_23 = arith.constant 0 : i32
    %dma_start3A_24 = tpu.memref_slice %arg6[%add3A_22, %dma_start3A_23] : memref<4096x4096xf32, #tpu.memory_space<hbm>> -> memref<8x4096xf32, #tpu.memory_space<hbm>>
    %dma_start3A_25 = arith.constant 0 : i32
    %dma_start3A_26 = tpu.memref_slice %arg6[%add3A_22, %dma_start3A_25] : memref<4096x4096xf32, #tpu.memory_space<hbm>> -> memref<8x4096xf32, #tpu.memory_space<hbm>>
    tpu.enqueue_dma source(%arg10 : memref<8x4096xf32, #tpu.memory_space<vmem>>) target(%dma_start3A_26 : memref<8x4096xf32, #tpu.memory_space<hbm>>) target_semaphore(%arg14 : memref<!tpu.dma_semaphore, #tpu.memory_space<semaphore_mem>>)
    %dma_wait3A_27 = arith.constant 0 : i32
    %dma_wait3A_28 = arith.constant 0 : i32
    %dma_wait3A_29 = tpu.memref_slice %arg4[%dma_wait3A_27, %dma_wait3A_28] : memref<4096x4096xf32, #tpu.memory_space<hbm>> -> memref<8x4096xf32, #tpu.memory_space<hbm>>
    %dma_wait3A_30 = arith.constant 0 : i32
    %dma_wait3A_31 = arith.constant 0 : i32
    %dma_wait3A_32 = tpu.memref_slice %arg4[%dma_wait3A_30, %dma_wait3A_31] : memref<4096x4096xf32, #tpu.memory_space<hbm>> -> memref<8x4096xf32, #tpu.memory_space<hbm>>
    tpu.wait_dma2 semaphore(%arg13 : memref<!tpu.dma_semaphore, #tpu.memory_space<semaphore_mem>>) src(%dma_wait3A_32 : memref<8x4096xf32, #tpu.memory_space<hbm>>) dst(%arg11 : memref<8x4096xf32, #tpu.memory_space<vmem>>)
    %add3A_33 = arith.constant 120 : i32
    %add3A_34 = arith.addi %mul3A_2, %add3A_33 : i32
    %dma_start3A_35 = arith.constant 0 : i32
    %dma_start3A_36 = tpu.memref_slice %arg7[%add3A_34, %dma_start3A_35] : memref<4096x4096xf32, #tpu.memory_space<hbm>> -> memref<8x4096xf32, #tpu.memory_space<hbm>>
    %dma_start3A_37 = arith.constant 0 : i32
    %dma_start3A_38 = tpu.memref_slice %arg7[%add3A_34, %dma_start3A_37] : memref<4096x4096xf32, #tpu.memory_space<hbm>> -> memref<8x4096xf32, #tpu.memory_space<hbm>>
    tpu.enqueue_dma source(%arg11 : memref<8x4096xf32, #tpu.memory_space<vmem>>) target(%dma_start3A_38 : memref<8x4096xf32, #tpu.memory_space<hbm>>) target_semaphore(%arg15 : memref<!tpu.dma_semaphore, #tpu.memory_space<semaphore_mem>>)
    %dma_wait3A_39 = arith.constant 0 : i32
    %dma_wait3A_40 = tpu.memref_slice %arg6[%mul3A_2, %dma_wait3A_39] : memref<4096x4096xf32, #tpu.memory_space<hbm>> -> memref<8x4096xf32, #tpu.memory_space<hbm>>
    %dma_wait3A_41 = arith.constant 0 : i32
    %dma_wait3A_42 = tpu.memref_slice %arg6[%mul3A_2, %dma_wait3A_41] : memref<4096x4096xf32, #tpu.memory_space<hbm>> -> memref<8x4096xf32, #tpu.memory_space<hbm>>
    tpu.wait_dma2 semaphore(%arg14 : memref<!tpu.dma_semaphore, #tpu.memory_space<semaphore_mem>>) src(%arg10 : memref<8x4096xf32, #tpu.memory_space<vmem>>) dst(%dma_wait3A_42 : memref<8x4096xf32, #tpu.memory_space<hbm>>)
    %dma_wait3A_43 = arith.constant 0 : i32
    %dma_wait3A_44 = tpu.memref_slice %arg7[%mul3A_2, %dma_wait3A_43] : memref<4096x4096xf32, #tpu.memory_space<hbm>> -> memref<8x4096xf32, #tpu.memory_space<hbm>>
    %dma_wait3A_45 = arith.constant 0 : i32
    %dma_wait3A_46 = tpu.memref_slice %arg7[%mul3A_2, %dma_wait3A_45] : memref<4096x4096xf32, #tpu.memory_space<hbm>> -> memref<8x4096xf32, #tpu.memory_space<hbm>>
    tpu.wait_dma2 semaphore(%arg15 : memref<!tpu.dma_semaphore, #tpu.memory_space<semaphore_mem>>) src(%arg11 : memref<8x4096xf32, #tpu.memory_space<vmem>>) dst(%dma_wait3A_46 : memref<8x4096xf32, #tpu.memory_space<hbm>>)
    return
  }
}

</mosaic_0001>

<sc_bundles>
// kernel: kernel.3.cloned.1.call-start
scs
__scs_entry_jumppad:
0x0: {  	(pc) =	sbr.rel $0x88, $3  }
0x1: {  	(tag) =	ssettag $0x0;
	lr =	simm.s32 $0x1  }
0x2: {  	[smem:$0x3F9D] =	sst lr;
	_ =	strace $0xD0000000  }
0x3: {  	_ = 	snop  }
0x4: {  	_ = 	snop  }
0x5: {  	_ = 	snop  }
0x6: {  	_ = 	snop  }
0x7: {  	_ = 	snop  }
__scs_overlays_trampoline_lowered:
0x8: {  	[smem:$0x3FAC] =	sst s0  }
0x9: {  	[smem:$0x3FAD] =	sst s1  }
0xa: {  	[smem:$0x3FAE] =	sst s2  }
0xb: {  	[smem:$0x3FAF] =	sst s3  }
0xc: {  	[smem:$0x3FB0] =	sst s4  }
0xd: {  	[smem:$0x3FB1] =	sst s5  }
0xe: {  	[smem:$0x3FB2] =	sst s6  }
0xf: {  	[smem:$0x3FB3] =	sst s7  }
0x10: {  	[smem:$0x3FB4] =	sst s8  }
0x11: {  	[smem:$0x3FB5] =	sst s9;
	s0 =	simm.s32 @!p0 $0x0  }
0x12: {  	s1 =	sld [smem:$0x3F9B];
	s0 =	simm.s32 @p0 $0x1  }
0x13: {  	[smem:$0x3FB6] =	sst s0;
	s0 =	simm.s32 @!p1 $0x0  }
0x14: {  	s2 =	sld [smem:$0x3F9A];
	s0 =	simm.s32 @p1 $0x1  }
0x15: {  	[smem:$0x3FB7] =	sst s0;
	s0 =	simm.s32 @!p2 $0x0  }
0x16: {  	s3 =	sld [smem:$0x3FDB];
	s0 =	simm.s32 @p2 $0x1  }
0x17: {  	s4 =	simm.s32 $0x1BF5;
	[smem:$0x3FB9] =	sst s0  }
0x18: {  	s0 =	sld [smem:$0x3F9C];
	_ =	swait.ge [sflag:s4], $0x0  }
0x19: {  	s7 =	sld [smem:$0x3F9D]  }
0x1a: {  	s8 =	sadd.s32 $0xFFFFE003, lr  }
0x1b: {  	s9 =	sadd.s32 $0xFFFFFEF7, lr;
	s5 =	simm.s32 $0xFFFFFFFF;
	p2 =	slt.u32 s8, $0xFFFFF086  }
0x1c: {  	p1 =	slt.u32 s9, $0xF7A;
	s5 =	simm.s32 @!p2 $0x0  }
0x1d: {  	s5 =	simm.s32 @p1 $0x1;
	p0 =	seq.s32 s7, s2  }
0x1e: {  	s7 =	smul.u32 @!p0 $0xF7A, s2;
	p2 =	seq.s32 @!p0 s5, $0x0  }
0x1f: {  	s9 =	smul.u32 $0xF7A, s1;
	s8 =	simm.s32 @!p0 $0x1BF5;
	p2 =	por !p2, p0  }
0x20: {  	[sflag:s8] =	ssyncset.s32 @!p0 $0xFFFFF086;
	s6 =	sadd.s32 @!p0 s3, s7;
	s7 =	simm.s32 @!p0 $0x108  }
0x21: {  	s3 =	sadd.s32 s3, s9;
	s6 =	sadd.s32 @!p0 $0x88, s6;
	s7 =	simm.s32 @p2 $0x1082  }
0x22: {  	[simem:s7], [sflag:s8] =	dma.local @!p0 [hbm:s6], $0xF7A  }
0x23: {  	s9 =	sor.u32 $0xD0000000, s2;
	s6 =	simm.s32 $0x108;
	_ =	swait.ge @!p0 [sflag:s8], $0x0  }
0x24: {  	s3 =	sadd.s32 $0x88, s3;
	s6 =	simm.s32 @!p1 $0x1082;
	[sflag:s4] =	ssyncset.s32 $0xFFFFF086  }
0x25: {  	[simem:s6], [sflag:s4] =	dma.local [hbm:s3], $0xF7A  }
0x26: {  	[smem:$0x3F9D] =	sst s1;
	(tag) =	ssettag s2;
	_ =	strace s9  }
0x27: {  	s1 =	sld [smem:$0x3FAD]  }
0x28: {  	s2 =	sld [smem:$0x3FAE]  }
0x29: {  	s4 =	sld [smem:$0x3FB0]  }
0x2a: {  	p0 =	seq.s32 s5, $0x0;
	s5 =	sld [smem:$0x3FB1]  }
0x2b: {  	s6 =	sld [smem:$0x3FB2]  }
0x2c: {  	s7 =	sld [smem:$0x3FB3]  }
0x2d: {  	s3 =	simm.s32 $0x108;
	s8 =	sld [smem:$0x3FB4]  }
0x2e: {  	s3 =	simm.s32 @!p0 $0x1082;
	s9 =	sld [smem:$0x3FB5]  }
0x2f: {  	lr =	sadd.s32 s0, s3;
	s0 =	sld [smem:$0x3FAC]  }
0x30: {  	s3 =	sld [smem:$0x3FAF]  }
0x31: {  	[smem:$0x3FB8] =	sst s10  }
0x32: {  	s10 =	sld [smem:$0x3FB6];
	_ =	sdelay $0x3  }
0x33: {  	p0 =	seq.s32 s10, $0x1;
	s10 =	sld [smem:$0x3FB8];
	_ =	sdelay $0x3  }
0x34: {  	[smem:$0x3FB8] =	sst s10  }
0x35: {  	s10 =	sld [smem:$0x3FB7];
	_ =	sdelay $0x3  }
0x36: {  	p1 =	seq.s32 s10, $0x1;
	s10 =	sld [smem:$0x3FB8];
	_ =	sdelay $0x3  }
0x37: {  	[smem:$0x3FB8] =	sst s10  }
0x38: {  	s10 =	sld [smem:$0x3FB9]  }
0x39: {  	_ = 	snop;
	(pc) =	sbr.ind lr, $3  }
0x3a: {  	_ = 	snop  }
0x3b: {  	_ = 	snop  }
0x3c: {  	p2 =	seq.s32 s10, $0x1;
	s10 =	sld [smem:$0x3FB8]  }
0x3d: {  	_ =	shalt  }
0x3e: {  	_ =	shalt  }
0x3f: {  	_ =	shalt  }
0x40: {  	_ =	shalt  }
0x41: {  	_ =	shalt  }
0x42: {  	_ =	shalt  }
0x43: {  	_ =	shalt  }
0x44: {  	_ =	shalt  }
0x45: {  	_ =	shalt  }
0x46: {  	_ =	shalt  }
0x47: {  	_ =	shalt  }
0x48: {  	_ =	shalt  }
0x49: {  	_ =	shalt  }
0x4a: {  	_ =	shalt  }
0x4b: {  	_ =	shalt  }
0x4c: {  	_ =	shalt  }
0x4d: {  	_ =	shalt  }
0x4e: {  	_ =	shalt  }
0x4f: {  	_ =	shalt  }
0x50: {  	_ =	shalt  }
0x51: {  	_ =	shalt  }
0x52: {  	_ =	shalt  }
0x53: {  	_ =	shalt  }
0x54: {  	_ =	shalt  }
0x55: {  	_ =	shalt  }
0x56: {  	_ =	shalt  }
0x57: {  	_ =	shalt  }
0x58: {  	_ =	shalt  }
0x59: {  	_ =	shalt  }
0x5a: {  	_ =	shalt  }
0x5b: {  	_ =	shalt  }
0x5c: {  	_ =	shalt  }
0x5d: {  	_ =	shalt  }
0x5e: {  	_ =	shalt  }
0x5f: {  	_ =	shalt  }
0x60: {  	_ =	shalt  }
0x61: {  	_ =	shalt  }
0x62: {  	_ =	shalt  }
0x63: {  	_ =	shalt  }
0x64: {  	_ =	shalt  }
0x65: {  	_ =	shalt  }
0x66: {  	_ =	shalt  }
0x67: {  	_ =	shalt  }
0x68: {  	_ =	shalt  }
0x69: {  	_ =	shalt  }
0x6a: {  	_ =	shalt  }
0x6b: {  	_ =	shalt  }
0x6c: {  	_ =	shalt  }
0x6d: {  	_ =	shalt  }
0x6e: {  	_ =	shalt  }
0x6f: {  	_ =	shalt  }
0x70: {  	_ =	shalt  }
0x71: {  	_ =	shalt  }
0x72: {  	_ =	shalt  }
0x73: {  	_ =	shalt  }
0x74: {  	_ =	shalt  }
0x75: {  	_ =	shalt  }
0x76: {  	_ =	shalt  }
0x77: {  	_ =	shalt  }
0x78: {  	_ =	shalt  }
0x79: {  	_ =	shalt  }
0x7a: {  	_ =	shalt  }
0x7b: {  	_ =	shalt  }
0x7c: {  	_ =	shalt  }
0x7d: {  	_ =	shalt  }
0x7e: {  	_ =	shalt  }
0x7f: {  	_ =	shalt  }
0x80: {  	_ =	shalt  }
0x81: {  	_ =	shalt  }
0x82: {  	_ =	shalt  }
0x83: {  	_ =	shalt  }
0x84: {  	_ =	shalt  }
0x85: {  	_ =	shalt  }
0x86: {  	_ =	shalt  }
0x87: {  	_ =	shalt  }
.Lfunc_end0:
.L_simem_size_0:
called_computation_lowered:
.L_overlay_start_0:
0x88: {  	s2 =	sld [smem:$0x3FD9]  }
0x89: {  	s3 =	sld [smem:$0x3FFE];
	_ =	sdelay $0x1  }
0x8a: {  	s1 =	srdreg.scid  }
0x8b: {  	s0 =	sand.u32 $0x1, s1  }
0x8c: {  	s15 =	sshll.u32 s0, $0xA;
	s2 =	sadd.s32 s3, s2  }
0x8d: {  	s2 =	sadd.s32 s2, s15  }
0x8e: {  	[smem:$0x3FC4] =	sst s2  }
0x8f: {  	_ = 	snop  }
0x90: {  	s2 =	sld [smem:$0x3FC9]  }
0x91: {  	s16 =	sld [smem:$0x3FD0]  }
0x92: {  	s4 =	sld [smem:$0x3FC8]  }
0x93: {  	s5 =	sld [smem:$0x3FC7]  }
0x94: {  	s7 =	simm.s32 $0xA;
	s8 =	simm.s32 $0x10;
	s6 =	sld [smem:$0x3FC6]  }
0x95: {  	[smem:s8], [sflag:s7] =	dma.local [hbm:s16], $0x1  }
0x96: {  	_ =	swait.eq [sflag:s7], $0x1  }
0x97: {  	[sflag:s7] =	ssyncset.done $0x0  }
0x98: {  	s17 =	sld [smem:$0x10];
	[sflag:s7] =	ssyncadd.s32 $0xFFFFFFFF  }
0x99: {  	s18 =	sld [smem:$0x11];
	(tm) =	ssettm $0x1  }
0x9a: {  	s19 =	sld [smem:$0x3FFB];
	_ =	sdelay $0x3  }
0x9b: {  	_ =	strace s19  }
0x9c: {  	s8 =	sld [smem:$0x3FFC];
	_ =	sdelay $0x3  }
0x9d: {  	_ =	strace s8  }
0x9e: {  	s8 =	sld [smem:$0x3FFD];
	_ =	sdelay $0x3  }
0x9f: {  	_ =	strace s8  }
0xa0: {  	_ =	strace $0x8FFFFFFF  }
0xa1: {  	s20 =	sld [smem:$0x3FDB];
	_ =	sdelay $0x1  }
0xa2: {  	s9 =	simm.s32 $_scs_section_size  }
0xa3: {  	s10 =	simm.s32 $_size__tile_overlayer_lowered;
	s11 =	simm.s32 $_tile_overlayer_lowered  }
0xa4: {  	s23 =	simm.s32 $0x1BFF;
	s22 =	sshll.u32 s11, $0x1;
	s8 =	sadd.s32 s9, s20  }
0xa5: {  	s12 =	simm.s32 $0x0;
	s21 =	sshll.u32 s10, $0x1;
	s10 =	sadd.s32 s22, s8  }
0xa6: {  	[timem:s12], [sflag:s23] =	dma.local [hbm:s10], s21  }
0xa7: {  	_ =	swait.ge [sflag:s23], s21  }
0xa8: {  	s9 =	ssub.s32 $0x0, s21;
	[sflag:s23] =	ssyncset.done $0x0  }
0xa9: {  	[sflag:s23] =	ssyncadd.s32 s9;
	_ =	sdelay $0x1  }
0xaa: {  	s24 =	simm.s32 $0x1B8B  }
0xab: {  	_ =	swait.ge [sflag:s24], $0x1  }
0xac: {  	[sflag:s24] =	ssyncset.done $0x0  }
0xad: {  	s25 =	simm.s32 $0x1B8E;
	[sflag:s24] =	ssyncadd.s32 $0xFFFFFFFF  }
0xae: {  	s26 =	simm.s32 $execute0_lowered;
	[smem:$0x3FD2] =	sst s25  }
0xaf: {  	s9 =	sshll.u32 s26, $0x1;
	_ =	strace $0x80000046;
	[dreg:$0x1] =	wrdreg $0xFFFFFFFF  }
0xb0: {  	s28 =	simm.s32 $_size_execute0_lowered;
	s8 =	sadd.s32 s8, s9;
	[dreg:$0x0] =	wrdreg $0x0  }
0xb1: {  	s9 =	sshll.u32 s28, $0x1;
	[dreg:$0x2] =	wrdreg s8  }
0xb2: {  	[dreg:$0x3] =	wrdreg s9  }
0xb3: {  	[dreg:$0x4] =	wrdreg $0xC0  }
0xb4: {  	_ =	task [dreg:s12], $0x5FFFF  }
0xb5: {  	[dreg:$0x1] =	wrdreg $0xFFFFFFFF  }
0xb6: {  	[dreg:$0x0] =	wrdreg $0x60  }
0xb7: {  	[dreg:$0x2] =	wrdreg s2  }
0xb8: {  	[dreg:$0x3] =	wrdreg s4  }
0xb9: {  	[dreg:$0x4] =	wrdreg s5  }
0xba: {  	[dreg:$0x5] =	wrdreg s6  }
0xbb: {  	[dreg:$0x6] =	wrdreg s17  }
0xbc: {  	[dreg:$0x7] =	wrdreg s18  }
0xbd: {  	[dreg:$0x8] =	wrdreg $0x9  }
0xbe: {  	_ =	task.clear_ibuf [dreg:s12], $0x9FFFF;
	_ =	strace $0x90000046  }
0xbf: {  	s29 =	simm.s32 $0x9;
	_ =	strace $0x80000048  }
0xc0: {  	_ =	swait.ge [sflag:s29], $0x1  }
0xc1: {  	[sflag:s29] =	ssyncadd.s32 $0xFFFFFFFF  }
0xc2: {  	_ =	strace $0x90000048  }
0xc3: {  	_ =	sfence  }
0xc4: {  	s30 =	sld [smem:$0x0];
	_ =	sdelay $0x2  }
0xc5: {  	s31 =	sshll.u32 s1, $0xD;
	s1 =	sshrl.u32 s1, $0x2  }
0xc6: {  	s3 =	sand.u32 $0x4000, s31;
	s1 =	sadd.s32 s1, s30  }
0xc7: {  	s0 =	sor.u32 s3, s0;
	s1 =	sshll.u32 s1, $0x11  }
0xc8: {  	s0 =	sor.u32 s1, s0  }
0xc9: {  	s0 =	sadd.s32 $0x8F2B, s0  }
0xca: {  	[sflag:s0] =	ssyncadd.remote.s32 $0x1  }
0xcb: {  	_ =	sfence.sel $0xFFFF  }
0xcc: {  	[dreg:$0x0] =	wrdreg $0xFFFFFFFF;
	(pc) =	sbr.abs _section_cstart, $3  }
0xcd: {  	[dreg:$0x1] =	wrdreg $0xFFFFFFFF  }
0xce: {  	_ =	task.clear_ibuf [dreg:s12], $0x2FFFF;
	_ =	strace $0x9FFFFFFF  }
0xcf: {  	(tm) =	ssettm $0x7FFFFFFF  }
tec
execute0_lowered:
.L_overlay_start_1:
0x0: {  	(tag) =	ssettag $0x1  }
0x1: {  	s0 =	rddreg [dreg:$0x0]  }
0x2: {  	s1 =	rddreg [dreg:$0x1]  }
0x3: {  	s9 =	rddreg [dreg:$0x2]  }
0x4: {  	s16 =	rddreg [dreg:$0x3]  }
0x5: {  	s2 =	rddreg [dreg:$0x4]  }
0x6: {  	s3 =	rddreg [dreg:$0x5];
	s4 =	simm.s32 $0x0  }
0x7: {  	[smem:$0x7FF] =	sst s4;
	s18 =	sadd.s32 $0x200, s9  }
0x8: {  	s19 =	sadd.s32 $0x400, s9;
	_ =	strace $0x80000047;
	[dreg:$0x17] =	wrdreg s18  }
0x9: {  	s20 =	sadd.s32 $0x500, s9;
	[dreg:$0x13] =	wrdreg s19  }
0xa: {  	s21 =	sadd.s32 $0x700, s9;
	[dreg:$0x15] =	wrdreg s20  }
0xb: {  	s22 =	sadd.s32 $0x900, s9;
	[dreg:$0x16] =	wrdreg s21  }
0xc: {  	s25 =	sadd.s32 $0xB00, s9;
	[dreg:$0x14] =	wrdreg s22  }
0xd: {  	s31 =	sadd.s32 $0xC00, s9;
	[smem:$0x7F7] =	sst s25  }
0xe: {  	s12 =	sadd.s32 $0xD00, s16;
	[dreg:$0x9] =	wrdreg s31  }
0xf: {  	s28 =	sadd.s32 $0x300, s16;
	[dreg:$0x10] =	wrdreg s12  }
0x10: {  	s29 =	sadd.s32 $0x900, s16;
	[dreg:$0x19] =	wrdreg s28  }
0x11: {  	s13 =	sadd.s32 $0x800, s16;
	[dreg:$0x1d] =	wrdreg s29  }
0x12: {  	s15 =	sadd.s32 $0x700, s16;
	[dreg:$0x1e] =	wrdreg s13  }
0x13: {  	s11 =	sadd.s32 $0x600, s9;
	[dreg:$0x1f] =	wrdreg s15  }
0x14: {  	s5 =	srdreg.scid;
	s14 =	sadd.s32 $0x100, s9;
	[smem:$0x7FB] =	sst s11  }
0x15: {  	s7 =	stileid.u32;
	s20 =	sadd.s32 $0xE00, s16;
	[smem:$0x7FD] =	sst s14  }
0x16: {  	s5 =	sand.u32 $0x1, s5;
	s31 =	sadd.s32 $0xF00, s16;
	[dreg:$0x11] =	wrdreg s20  }
0x17: {  	s7 =	sshll.u32 s7, $0x8;
	s22 =	sadd.s32 $0x200, s16;
	[dreg:$0x12] =	wrdreg s31  }
0x18: {  	s24 =	sadd.s32 $0x800, s9;
	s21 =	sadd.s32 $0xA00, s16;
	[dreg:$0x1a] =	wrdreg s22  }
0x19: {  	s6 =	ssub.s32 $0x2, s5;
	s18 =	sadd.s32 $0x600, s16;
	[dreg:$0x1c] =	wrdreg s21  }
0x1a: {  	s5 =	sshll.u32 s5, $0x7;
	s19 =	sadd.s32 $0x500, s16;
	[smem:$0x7F8] =	sst s18  }
0x1b: {  	s10 =	sadd.s32 $0xA00, s9;
	s5 =	sor.u32 s5, s7;
	[smem:$0x7F9] =	sst s19  }
0x1c: {  	s7 =	sshrl.u32 s5, $0x3;
	s23 =	sshll.u32 s5, $0x9;
	s5 =	sadd.s32 $0xD00, s9  }
0x1d: {  	s30 =	sadd.s32 $0x100, s16;
	s0 =	sadd.s32 s0, s7;
	[dreg:$0xa] =	wrdreg s5  }
0x1e: {  	s8 =	sshrl.u32 s6, $0x1;
	s17 =	sadd.s32 s1, s7;
	[dreg:$0x7] =	wrdreg s0  }
0x1f: {  	s8 =	ssub.s32 s6, s8;
	s7 =	sadd.s32 s23, s3;
	[dreg:$0x8] =	wrdreg s17  }
0x20: {  	s26 =	sor.u32 $0xF000, s23;
	s8 =	smax.u32 s8, $0x1;
	[dreg:$0xd] =	wrdreg s7  }
0x21: {  	s25 =	sadd.s32 $0xC00, s16;
	s6 =	sadd.s32 s2, s26;
	[dreg:$0xf] =	wrdreg s8  }
0x22: {  	s12 =	simm.s32 $0x5900;
	s1 =	sadd.s32 s3, s26;
	[dreg:$0xb] =	wrdreg s6  }
0x23: {  	s20 =	simm.s32 $0x900;
	s0 =	sadd.s32 s23, s2;
	[dreg:$0xc] =	wrdreg s1  }
0x24: {  	s17 =	sadd.s32 $0x300, s9;
	s26 =	sadd.s32 $0x400, s16;
	[dreg:$0xe] =	wrdreg s0  }
0x25: {  	v0 =	vlaneseq.u32;
	s23 =	sadd.s32 $0xB00, s16;
	s8 =	simm.s32 $0x100;
	[smem:$0x7FA] =	sst s26  }
0x26: {  	v1 =	vshrl.u32 v0, $0x3;
	s7 =	simm.s32 $0x8100;
	s6 =	sadd.s32 $0xE00, s9;
	[smem:$0x7FC] =	sst s17  }
0x27: {  	vm0 =	vmmov $0xffff;
	v0 =	vand.u32 $0x7, v0;
	v1 =	vmul.u32 $0x8, v1;
	s2 =	simm.s32 $0x0;
	s0 =	sadd.s32 $0xF00, s9;
	[dreg:$0x1b] =	wrdreg s6  }
.LBB2_1:
0x28: {  	[dreg:$0x18] =	wrdreg s2  }
0x29: {  	s3 =	rddreg [dreg:$0x7];
	s9 =	simm.s32 $0x5  }
0x2a: {  	[tilespmem:s4], [sflag:$0x5] =	stream.linear.gather [hbm4b:s3+s4], $0x80, $0x38;
	[tilespmem:$0x10100] =	vst v63  }
0x2b: {  	_ =	swait.ge [sflag:s9], $0x80  }
0x2c: {  	s31 =	smov.u32 s11;
	s5 =	smov.u32 s14;
	[sflag:s9] =	ssyncset.done $0x0  }
0x2d: {  	s11 =	simm.s32 $0x80;
	s14 =	rddreg [dreg:$0x8];
	[sflag:s9] =	ssyncadd.s32 $0xFFFFFF80  }
0x2e: {  	[tilespmem:s11], [sflag:$0x5] =	stream.linear.gather [hbm4b:s14+s4], $0x80, $0x38;
	[tilespmem:$0x10100] =	vst v63  }
0x2f: {  	s3 =	rddreg [dreg:$0x2];
	_ =	swait.ge [sflag:s9], $0x80  }
0x30: {  	[sflag:s9] =	ssyncset.done $0x0  }
0x31: {  	[sflag:s9] =	ssyncadd.s32 $0xFFFFFF80  }
0x32: {  	v2 =	vld.msk [tilespmem:$0x0], $0xff;
	_ =	sdelay $0x4  }
0x33: {  	v3 =	vshll.u32 v2, $0x5  }
0x34: {  	v2 =	vand.u32 $0x7, v2;
	v3 =	vand.u32 $0xFFFFFF00, v3  }
0x35: {  	v2 =	vor.u32 v2, v3  }
0x36: {  	v2 =	vperm.xlane v2, v0;
	_ =	sdelay $0x1  }
0x37: {  	v2 =	vadd.s32 v1, v2;
	_ =	sdelay $0x4  }
0x38: {  	[tilespmem:s8], [sflag:$0x1] =	stream.indirect_vreg.gather [hbm4b:s3+s4], $0x80, v2, vm0, $0xb8;
	[tilespmem:$0x10100] =	vst v63  }
0x39: {  	s11 =	smov.u32 s0  }
0x3a: {  	[tilespmem:s20], [sflag:$0x1] =	stream.indirect_vreg.gather [hbm4b:s5+s4], $0x80, v2, vm0, $0xb8;
	[tilespmem:$0x10100] =	vst v63  }
0x3b: {  	s0 =	smov.u32 s24;
	s24 =	rddreg [dreg:$0x17];
	s9 =	simm.s32 $0x1100  }
0x3c: {  	[tilespmem:s9], [sflag:$0x1] =	stream.indirect_vreg.gather [hbm4b:s24+s4], $0x80, v2, vm0, $0xb8;
	[tilespmem:$0x10100] =	vst v63  }
0x3d: {  	s14 =	simm.s32 $0x1900  }
0x3e: {  	[tilespmem:s14], [sflag:$0x1] =	stream.indirect_vreg.gather [hbm4b:s17+s4], $0x80, v2, vm0, $0xb8;
	[tilespmem:$0x10100] =	vst v63  }
0x3f: {  	s8 =	rddreg [dreg:$0x13];
	s20 =	simm.s32 $0x2100  }
0x40: {  	[tilespmem:s20], [sflag:$0x1] =	stream.indirect_vreg.gather [hbm4b:s8+s4], $0x80, v2, vm0, $0xb8;
	[tilespmem:$0x10100] =	vst v63  }
0x41: {  	s5 =	simm.s32 $0x2900;
	s14 =	rddreg [dreg:$0x15]  }
0x42: {  	[tilespmem:s5], [sflag:$0x1] =	stream.indirect_vreg.gather [hbm4b:s14+s4], $0x80, v2, vm0, $0xb8;
	[tilespmem:$0x10100] =	vst v63  }
0x43: {  	s17 =	simm.s32 $0x3100  }
0x44: {  	[tilespmem:s17], [sflag:$0x1] =	stream.indirect_vreg.gather [hbm4b:s31+s4], $0x80, v2, vm0, $0xb8;
	[tilespmem:$0x10100] =	vst v63  }
0x45: {  	s20 =	simm.s32 $0x3900;
	s31 =	rddreg [dreg:$0x16]  }
0x46: {  	[tilespmem:s20], [sflag:$0x1] =	stream.indirect_vreg.gather [hbm4b:s31+s4], $0x80, v2, vm0, $0xb8;
	[tilespmem:$0x10100] =	vst v63  }
0x47: {  	s5 =	simm.s32 $0x4100  }
0x48: {  	[tilespmem:s5], [sflag:$0x1] =	stream.indirect_vreg.gather [hbm4b:s0+s4], $0x80, v2, vm0, $0xb8;
	[tilespmem:$0x10100] =	vst v63  }
0x49: {  	s17 =	simm.s32 $0x4900;
	s5 =	smov.u32 s10;
	s10 =	rddreg [dreg:$0x14]  }
0x4a: {  	[tilespmem:s17], [sflag:$0x1] =	stream.indirect_vreg.gather [hbm4b:s10+s4], $0x80, v2, vm0, $0xb8;
	[tilespmem:$0x10100] =	vst v63  }
0x4b: {  	s20 =	sld [smem:$0x7F7];
	s17 =	simm.s32 $0x5100  }
0x4c: {  	[tilespmem:s17], [sflag:$0x1] =	stream.indirect_vreg.gather [hbm4b:s5+s4], $0x80, v2, vm0, $0xb8;
	[tilespmem:$0x10100] =	vst v63  }
0x4d: {  	_ = 	snop  }
0x4e: {  	[tilespmem:s12], [sflag:$0x1] =	stream.indirect_vreg.gather [hbm4b:s20+s4], $0x80, v2, vm0, $0xb8;
	[tilespmem:$0x10100] =	vst v63  }
0x4f: {  	s17 =	rddreg [dreg:$0x9];
	s20 =	simm.s32 $0x6100  }
0x50: {  	[tilespmem:s20], [sflag:$0x1] =	stream.indirect_vreg.gather [hbm4b:s17+s4], $0x80, v2, vm0, $0xb8;
	[tilespmem:$0x10100] =	vst v63  }
0x51: {  	s12 =	rddreg [dreg:$0xa];
	s17 =	simm.s32 $0x6900  }
0x52: {  	[tilespmem:s17], [sflag:$0x1] =	stream.indirect_vreg.gather [hbm4b:s12+s4], $0x80, v2, vm0, $0xb8;
	[tilespmem:$0x10100] =	vst v63  }
0x53: {  	s20 =	simm.s32 $0x7100  }
0x54: {  	[tilespmem:s20], [sflag:$0x1] =	stream.indirect_vreg.gather [hbm4b:s6+s4], $0x80, v2, vm0, $0xb8;
	[tilespmem:$0x10100] =	vst v63  }
0x55: {  	s9 =	simm.s32 $0x7900  }
0x56: {  	[tilespmem:s9], [sflag:$0x1] =	stream.indirect_vreg.gather [hbm4b:s11+s4], $0x80, v2, vm0, $0xb8;
	[tilespmem:$0x10100] =	vst v63  }
0x57: {  	v2 =	vld.msk [tilespmem:$0x80], $0xff;
	_ =	sdelay $0x4  }
0x58: {  	v3 =	vshll.u32 v2, $0x5  }
0x59: {  	v2 =	vand.u32 $0x7, v2;
	v3 =	vand.u32 $0xFFFFFF00, v3  }
0x5a: {  	v2 =	vor.u32 v2, v3  }
0x5b: {  	v2 =	vperm.xlane v2, v0;
	_ =	sdelay $0x1  }
0x5c: {  	v2 =	vadd.s32 v1, v2;
	_ =	sdelay $0x4  }
0x5d: {  	[tilespmem:s7], [sflag:$0x2] =	stream.indirect_vreg.gather [hbm4b:s16+s4], $0x80, v2, vm0, $0xb8;
	[tilespmem:$0x10100] =	vst v63  }
0x5e: {  	s12 =	smov.u32 s11;
	s11 =	simm.s32 $0x8900  }
0x5f: {  	[tilespmem:s11], [sflag:$0x2] =	stream.indirect_vreg.gather [hbm4b:s30+s4], $0x80, v2, vm0, $0xb8;
	[tilespmem:$0x10100] =	vst v63  }
0x60: {  	s17 =	simm.s32 $0x9100  }
0x61: {  	[tilespmem:s17], [sflag:$0x2] =	stream.indirect_vreg.gather [hbm4b:s22+s4], $0x80, v2, vm0, $0xb8;
	[tilespmem:$0x10100] =	vst v63  }
0x62: {  	s20 =	simm.s32 $0x9900  }
0x63: {  	[tilespmem:s20], [sflag:$0x2] =	stream.indirect_vreg.gather [hbm4b:s28+s4], $0x80, v2, vm0, $0xb8;
	[tilespmem:$0x10100] =	vst v63  }
0x64: {  	s22 =	simm.s32 $0xA100  }
0x65: {  	[tilespmem:s22], [sflag:$0x2] =	stream.indirect_vreg.gather [hbm4b:s26+s4], $0x80, v2, vm0, $0xb8;
	[tilespmem:$0x10100] =	vst v63  }
0x66: {  	s7 =	simm.s32 $0xA900  }
0x67: {  	[tilespmem:s7], [sflag:$0x2] =	stream.indirect_vreg.gather [hbm4b:s19+s4], $0x80, v2, vm0, $0xb8;
	[tilespmem:$0x10100] =	vst v63  }
0x68: {  	s9 =	simm.s32 $0xB100  }
0x69: {  	[tilespmem:s9], [sflag:$0x2] =	stream.indirect_vreg.gather [hbm4b:s18+s4], $0x80, v2, vm0, $0xb8;
	[tilespmem:$0x10100] =	vst v63  }
0x6a: {  	s11 =	simm.s32 $0xB900  }
0x6b: {  	[tilespmem:s11], [sflag:$0x2] =	stream.indirect_vreg.gather [hbm4b:s15+s4], $0x80, v2, vm0, $0xb8;
	[tilespmem:$0x10100] =	vst v63  }
0x6c: {  	s6 =	sld [smem:$0x7F7];
	s15 =	simm.s32 $0xC100  }
0x6d: {  	[tilespmem:s15], [sflag:$0x2] =	stream.indirect_vreg.gather [hbm4b:s13+s4], $0x80, v2, vm0, $0xb8;
	[tilespmem:$0x10100] =	vst v63  }
0x6e: {  	s17 =	simm.s32 $0xC900;
	s9 =	rddreg [dreg:$0x10]  }
0x6f: {  	[tilespmem:s17], [sflag:$0x2] =	stream.indirect_vreg.gather [hbm4b:s29+s4], $0x80, v2, vm0, $0xb8;
	[tilespmem:$0x10100] =	vst v63  }
0x70: {  	s1 =	simm.s32 $0x2;
	s18 =	simm.s32 $0xD100;
	s11 =	rddreg [dreg:$0x12]  }
0x71: {  	[tilespmem:s18], [sflag:$0x2] =	stream.indirect_vreg.gather [hbm4b:s21+s4], $0x80, v2, vm0, $0xb8;
	[tilespmem:$0x10100] =	vst v63  }
0x72: {  	s2 =	simm.s32 $0x1;
	s19 =	simm.s32 $0xD900;
	s15 =	rddreg [dreg:$0xd]  }
0x73: {  	[tilespmem:s19], [sflag:$0x2] =	stream.indirect_vreg.gather [hbm4b:s23+s4], $0x80, v2, vm0, $0xb8;
	[tilespmem:$0x10100] =	vst v63  }
0x74: {  	s20 =	simm.s32 $0xE100;
	s29 =	smov.u32 s14;
	s14 =	rddreg [dreg:$0xe]  }
0x75: {  	[tilespmem:s20], [sflag:$0x2] =	stream.indirect_vreg.gather [hbm4b:s25+s4], $0x80, v2, vm0, $0xb8;
	[tilespmem:$0x10100] =	vst v63  }
0x76: {  	s28 =	smov.u32 s8;
	s21 =	simm.s32 $0xE900;
	s19 =	sld [smem:$0x7FD]  }
0x77: {  	[tilespmem:s21], [sflag:$0x2] =	stream.indirect_vreg.gather [hbm4b:s9+s4], $0x80, v2, vm0, $0xb8;
	[tilespmem:$0x10100] =	vst v63  }
0x78: {  	s22 =	simm.s32 $0xF100;
	s26 =	simm.s32 $0xF900;
	s20 =	rddreg [dreg:$0x11]  }
0x79: {  	[tilespmem:s22], [sflag:$0x2] =	stream.indirect_vreg.gather [hbm4b:s20+s4], $0x80, v2, vm0, $0xb8;
	[tilespmem:$0x10100] =	vst v63  }
0x7a: {  	s13 =	simm.s32 $0x20;
	s21 =	smov.u32 s30;
	s30 =	sld [smem:$0x7FB]  }
0x7b: {  	[tilespmem:s26], [sflag:$0x2] =	stream.indirect_vreg.gather [hbm4b:s11+s4], $0x80, v2, vm0, $0xb8;
	[tilespmem:$0x10100] =	vst v63  }
0x7c: {  	s17 =	smov.u32 s3;
	s3 =	smov.u32 s12;
	s26 =	sld [smem:$0x7FC]  }
.LBB2_2:
0x7d: {  	_ =	swait.ge [sflag:s2], $0x8000  }
0x7e: {  	[sflag:s2] =	ssyncset.done $0x0  }
0x7f: {  	s7 =	simm.s32 $0x100;
	[sflag:s2] =	ssyncadd.s32 $0xFFFF8000  }
0x80: {  	[hbm4b:s14+s4] =	stream.linear.scatter [tilespmem:s7], [sflag:$0x3], $0x8000, $0x38;
	[tilespmem:$0x10100] =	vst v63  }
0x81: {  	_ =	swait.ge [sflag:s1], $0x8000  }
0x82: {  	[sflag:s1] =	ssyncset.done $0x0  }
0x83: {  	s12 =	simm.s32 $0x8100;
	s8 =	simm.s32 $0x3;
	[sflag:s1] =	ssyncadd.s32 $0xFFFF8000  }
0x84: {  	[hbm4b:s15+s4] =	stream.linear.scatter [tilespmem:s12], [sflag:$0x4], $0x8000, $0x38;
	[tilespmem:$0x10100] =	vst v63  }
0x85: {  	_ =	swait.ge [sflag:s8], $0x8000  }
0x86: {  	[sflag:s8] =	ssyncset.done $0x0  }
0x87: {  	s18 =	smov.u32 s16;
	s16 =	sshra.s32 s13, $0x2;
	[sflag:s8] =	ssyncadd.s32 $0xFFFF8000  }
0x88: {  	v2 =	vld.msk [tilespmem:s16+$0x0], $0xff;
	_ =	sdelay $0x4  }
0x89: {  	v3 =	vshll.u32 v2, $0x5  }
0x8a: {  	v2 =	vand.u32 $0x7, v2;
	v3 =	vand.u32 $0xFFFFFF00, v3  }
0x8b: {  	v2 =	vor.u32 v2, v3  }
0x8c: {  	v2 =	vperm.xlane v2, v0;
	_ =	sdelay $0x1  }
0x8d: {  	v2 =	vadd.s32 v1, v2;
	_ =	sdelay $0x4  }
0x8e: {  	[tilespmem:s7], [sflag:$0x1] =	stream.indirect_vreg.gather [hbm4b:s17+s4], $0x80, v2, vm0, $0xb8;
	[tilespmem:$0x10100] =	vst v63  }
0x8f: {  	s22 =	simm.s32 $0x900  }
0x90: {  	[tilespmem:s22], [sflag:$0x1] =	stream.indirect_vreg.gather [hbm4b:s19+s4], $0x80, v2, vm0, $0xb8;
	[tilespmem:$0x10100] =	vst v63  }
0x91: {  	s22 =	simm.s32 $0x1100  }
0x92: {  	[tilespmem:s22], [sflag:$0x1] =	stream.indirect_vreg.gather [hbm4b:s24+s4], $0x80, v2, vm0, $0xb8;
	[tilespmem:$0x10100] =	vst v63  }
0x93: {  	s22 =	simm.s32 $0x1900  }
0x94: {  	[tilespmem:s22], [sflag:$0x1] =	stream.indirect_vreg.gather [hbm4b:s26+s4], $0x80, v2, vm0, $0xb8;
	[tilespmem:$0x10100] =	vst v63  }
0x95: {  	s22 =	simm.s32 $0x2100  }
0x96: {  	[tilespmem:s22], [sflag:$0x1] =	stream.indirect_vreg.gather [hbm4b:s28+s4], $0x80, v2, vm0, $0xb8;
	[tilespmem:$0x10100] =	vst v63  }
0x97: {  	s22 =	simm.s32 $0x2900  }
0x98: {  	[tilespmem:s22], [sflag:$0x1] =	stream.indirect_vreg.gather [hbm4b:s29+s4], $0x80, v2, vm0, $0xb8;
	[tilespmem:$0x10100] =	vst v63  }
0x99: {  	s22 =	simm.s32 $0x3100  }
0x9a: {  	[tilespmem:s22], [sflag:$0x1] =	stream.indirect_vreg.gather [hbm4b:s30+s4], $0x80, v2, vm0, $0xb8;
	[tilespmem:$0x10100] =	vst v63  }
0x9b: {  	s22 =	simm.s32 $0x3900  }
0x9c: {  	[tilespmem:s22], [sflag:$0x1] =	stream.indirect_vreg.gather [hbm4b:s31+s4], $0x80, v2, vm0, $0xb8;
	[tilespmem:$0x10100] =	vst v63  }
0x9d: {  	s22 =	simm.s32 $0x4100  }
0x9e: {  	[tilespmem:s22], [sflag:$0x1] =	stream.indirect_vreg.gather [hbm4b:s0+s4], $0x80, v2, vm0, $0xb8;
	[tilespmem:$0x10100] =	vst v63  }
0x9f: {  	s22 =	simm.s32 $0x4900  }
0xa0: {  	[tilespmem:s22], [sflag:$0x1] =	stream.indirect_vreg.gather [hbm4b:s10+s4], $0x80, v2, vm0, $0xb8;
	[tilespmem:$0x10100] =	vst v63  }
0xa1: {  	s22 =	simm.s32 $0x5100  }
0xa2: {  	[tilespmem:s22], [sflag:$0x1] =	stream.indirect_vreg.gather [hbm4b:s5+s4], $0x80, v2, vm0, $0xb8;
	[tilespmem:$0x10100] =	vst v63  }
0xa3: {  	s22 =	simm.s32 $0x5900  }
0xa4: {  	[tilespmem:s22], [sflag:$0x1] =	stream.indirect_vreg.gather [hbm4b:s6+s4], $0x80, v2, vm0, $0xb8;
	[tilespmem:$0x10100] =	vst v63  }
0xa5: {  	s7 =	rddreg [dreg:$0x9];
	s22 =	simm.s32 $0x6100  }
0xa6: {  	[tilespmem:s22], [sflag:$0x1] =	stream.indirect_vreg.gather [hbm4b:s7+s4], $0x80, v2, vm0, $0xb8;
	[tilespmem:$0x10100] =	vst v63  }
0xa7: {  	s7 =	rddreg [dreg:$0xa];
	s22 =	simm.s32 $0x6900  }
0xa8: {  	[tilespmem:s22], [sflag:$0x1] =	stream.indirect_vreg.gather [hbm4b:s7+s4], $0x80, v2, vm0, $0xb8;
	[tilespmem:$0x10100] =	vst v63  }
0xa9: {  	s7 =	rddreg [dreg:$0x1b];
	s22 =	simm.s32 $0x7100  }
0xaa: {  	[tilespmem:s22], [sflag:$0x1] =	stream.indirect_vreg.gather [hbm4b:s7+s4], $0x80, v2, vm0, $0xb8;
	[tilespmem:$0x10100] =	vst v63  }
0xab: {  	s22 =	simm.s32 $0x7900  }
0xac: {  	[tilespmem:s22], [sflag:$0x1] =	stream.indirect_vreg.gather [hbm4b:s3+s4], $0x80, v2, vm0, $0xb8;
	[tilespmem:$0x10100] =	vst v63  }
0xad: {  	s22 =	simm.s32 $0x4  }
0xae: {  	_ =	swait.ge [sflag:s22], $0x8000  }
0xaf: {  	[sflag:s22] =	ssyncset.done $0x0  }
0xb0: {  	[sflag:s22] =	ssyncadd.s32 $0xFFFF8000  }
0xb1: {  	v2 =	vld.msk [tilespmem:s16+$0x80], $0xff;
	_ =	sdelay $0x4  }
0xb2: {  	v3 =	vshll.u32 v2, $0x5  }
0xb3: {  	v2 =	vand.u32 $0x7, v2;
	v3 =	vand.u32 $0xFFFFFF00, v3  }
0xb4: {  	v2 =	vor.u32 v2, v3  }
0xb5: {  	v2 =	vperm.xlane v2, v0;
	_ =	sdelay $0x1  }
0xb6: {  	v2 =	vadd.s32 v1, v2;
	_ =	sdelay $0x4  }
0xb7: {  	[tilespmem:s12], [sflag:$0x2] =	stream.indirect_vreg.gather [hbm4b:s18+s4], $0x80, v2, vm0, $0xb8;
	[tilespmem:$0x10100] =	vst v63  }
0xb8: {  	s22 =	simm.s32 $0x8900  }
0xb9: {  	[tilespmem:s22], [sflag:$0x2] =	stream.indirect_vreg.gather [hbm4b:s21+s4], $0x80, v2, vm0, $0xb8;
	[tilespmem:$0x10100] =	vst v63  }
0xba: {  	s16 =	smov.u32 s18;
	s18 =	rddreg [dreg:$0x1a];
	s22 =	simm.s32 $0x9100  }
0xbb: {  	[tilespmem:s22], [sflag:$0x2] =	stream.indirect_vreg.gather [hbm4b:s18+s4], $0x80, v2, vm0, $0xb8;
	[tilespmem:$0x10100] =	vst v63  }
0xbc: {  	s18 =	rddreg [dreg:$0x19];
	s22 =	simm.s32 $0x9900  }
0xbd: {  	[tilespmem:s22], [sflag:$0x2] =	stream.indirect_vreg.gather [hbm4b:s18+s4], $0x80, v2, vm0, $0xb8;
	[tilespmem:$0x10100] =	vst v63  }
0xbe: {  	s18 =	sld [smem:$0x7FA];
	_ =	sdelay $0x1  }
0xbf: {  	s22 =	simm.s32 $0xA100  }
0xc0: {  	[tilespmem:s22], [sflag:$0x2] =	stream.indirect_vreg.gather [hbm4b:s18+s4], $0x80, v2, vm0, $0xb8;
	[tilespmem:$0x10100] =	vst v63  }
0xc1: {  	s18 =	sld [smem:$0x7F9];
	_ =	sdelay $0x1  }
0xc2: {  	s22 =	simm.s32 $0xA900  }
0xc3: {  	[tilespmem:s22], [sflag:$0x2] =	stream.indirect_vreg.gather [hbm4b:s18+s4], $0x80, v2, vm0, $0xb8;
	[tilespmem:$0x10100] =	vst v63  }
0xc4: {  	s18 =	sld [smem:$0x7F8];
	_ =	sdelay $0x1  }
0xc5: {  	s22 =	simm.s32 $0xB100  }
0xc6: {  	[tilespmem:s22], [sflag:$0x2] =	stream.indirect_vreg.gather [hbm4b:s18+s4], $0x80, v2, vm0, $0xb8;
	[tilespmem:$0x10100] =	vst v63  }
0xc7: {  	s18 =	rddreg [dreg:$0x1f];
	s22 =	simm.s32 $0xB900  }
0xc8: {  	[tilespmem:s22], [sflag:$0x2] =	stream.indirect_vreg.gather [hbm4b:s18+s4], $0x80, v2, vm0, $0xb8;
	[tilespmem:$0x10100] =	vst v63  }
0xc9: {  	s18 =	rddreg [dreg:$0x1e];
	s22 =	simm.s32 $0xC100  }
0xca: {  	[tilespmem:s22], [sflag:$0x2] =	stream.indirect_vreg.gather [hbm4b:s18+s4], $0x80, v2, vm0, $0xb8;
	[tilespmem:$0x10100] =	vst v63  }
0xcb: {  	s18 =	rddreg [dreg:$0x1d];
	s22 =	simm.s32 $0xC900  }
0xcc: {  	[tilespmem:s22], [sflag:$0x2] =	stream.indirect_vreg.gather [hbm4b:s18+s4], $0x80, v2, vm0, $0xb8;
	[tilespmem:$0x10100] =	vst v63  }
0xcd: {  	s18 =	rddreg [dreg:$0x1c];
	s22 =	simm.s32 $0xD100  }
0xce: {  	[tilespmem:s22], [sflag:$0x2] =	stream.indirect_vreg.gather [hbm4b:s18+s4], $0x80, v2, vm0, $0xb8;
	[tilespmem:$0x10100] =	vst v63  }
0xcf: {  	s22 =	simm.s32 $0xD900  }
0xd0: {  	[tilespmem:s22], [sflag:$0x2] =	stream.indirect_vreg.gather [hbm4b:s23+s4], $0x80, v2, vm0, $0xb8;
	[tilespmem:$0x10100] =	vst v63  }
0xd1: {  	s18 =	simm.s32 $0xE100  }
0xd2: {  	[tilespmem:s18], [sflag:$0x2] =	stream.indirect_vreg.gather [hbm4b:s25+s4], $0x80, v2, vm0, $0xb8;
	[tilespmem:$0x10100] =	vst v63  }
0xd3: {  	p0 =	sne.s32 s13, $0x1E0;
	s22 =	simm.s32 $0xE900  }
0xd4: {  	[tilespmem:s22], [sflag:$0x2] =	stream.indirect_vreg.gather [hbm4b:s9+s4], $0x80, v2, vm0, $0xb8;
	[tilespmem:$0x10100] =	vst v63  }
.Ltmp0:
0xd5: {  	s13 =	sadd.s32 $0x20, s13;
	(pc) =	sbr.rel @p0 .LBB2_2-.Ltmp0, $4  }
0xd6: {  	s14 =	sadd.s32 $0x1000, s14;
	s15 =	sadd.s32 $0x1000, s15;
	s18 =	simm.s32 $0xF100  }
0xd7: {  	[tilespmem:s18], [sflag:$0x2] =	stream.indirect_vreg.gather [hbm4b:s20+s4], $0x80, v2, vm0, $0xb8;
	[tilespmem:$0x10100] =	vst v63  }
0xd8: {  	s8 =	simm.s32 $0x100;
	s7 =	simm.s32 $0x8100;
	s22 =	simm.s32 $0xF900  }
0xd9: {  	[tilespmem:s22], [sflag:$0x2] =	stream.indirect_vreg.gather [hbm4b:s11+s4], $0x80, v2, vm0, $0xb8;
	[tilespmem:$0x10100] =	vst v63  }
0xda: {  	_ =	swait.ge [sflag:s2], $0x8000  }
0xdb: {  	[sflag:s2] =	ssyncset.done $0x0  }
0xdc: {  	s13 =	rddreg [dreg:$0xb];
	[sflag:s2] =	ssyncadd.s32 $0xFFFF8000  }
0xdd: {  	[hbm4b:s13+s4] =	stream.linear.scatter [tilespmem:s8], [sflag:$0x3], $0x8000, $0x38;
	[tilespmem:$0x10100] =	vst v63  }
0xde: {  	_ =	swait.ge [sflag:s1], $0x8000  }
0xdf: {  	[sflag:s1] =	ssyncset.done $0x0  }
0xe0: {  	s20 =	simm.s32 $0x3;
	s18 =	rddreg [dreg:$0xc];
	[sflag:s1] =	ssyncadd.s32 $0xFFFF8000  }
0xe1: {  	[hbm4b:s18+s4] =	stream.linear.scatter [tilespmem:s7], [sflag:$0x4], $0x8000, $0x38;
	[tilespmem:$0x10100] =	vst v63  }
0xe2: {  	_ =	swait.ge [sflag:s20], $0x8000  }
0xe3: {  	[sflag:s20] =	ssyncset.done $0x0  }
0xe4: {  	s22 =	simm.s32 $0x4;
	[sflag:s20] =	ssyncadd.s32 $0xFFFF8000  }
0xe5: {  	_ =	swait.ge [sflag:s22], $0x8000  }
0xe6: {  	s24 =	rddreg [dreg:$0x18]  }
0xe7: {  	s31 =	rddreg [dreg:$0xf]  }
0xe8: {  	s6 =	rddreg [dreg:$0x1b]  }
0xe9: {  	s28 =	rddreg [dreg:$0x19]  }
0xea: {  	s17 =	smov.u32 s26;
	s26 =	sld [smem:$0x7FA]  }
0xeb: {  	s14 =	smov.u32 s19;
	s19 =	sld [smem:$0x7F9];
	s2 =	sadd.s32 $0x1, s24  }
0xec: {  	s18 =	sld [smem:$0x7F8];
	p0 =	sne.s32 s2, s31  }
.Ltmp1:
0xed: {  	s11 =	smov.u32 s30;
	s15 =	rddreg [dreg:$0x1f];
	(pc) =	sbr.rel @p0 .LBB2_1-.Ltmp1, $4  }
0xee: {  	s10 =	smov.u32 s5;
	s30 =	smov.u32 s21;
	s13 =	rddreg [dreg:$0x1e]  }
0xef: {  	s12 =	simm.s32 $0x5900;
	[sflag:s22] =	ssyncset.done $0x0;
	s29 =	rddreg [dreg:$0x1d]  }
0xf0: {  	s20 =	simm.s32 $0x900;
	s21 =	rddreg [dreg:$0x1c];
	[sflag:s22] =	ssyncadd.s32 $0xFFFF8000  }
0xf1: {  	s24 =	smov.u32 s0;
	s0 =	smov.u32 s3;
	s22 =	rddreg [dreg:$0x1a]  }
0xf2: {  	_ =	sfence.sel $0x180000  }
0xf3: {  	[bflag:$0x0] =	sbarrier.arrive $0xFFFF  }
0xf4: {  	_ =	strace $0x90000047  }
0xf5: {  	s0 =	stileid.u32;
	[bflag:$0x2] =	sbarrier.arrive $0xFFFF  }
0xf6: {  	p0 =	sne.s32 s0, $0x0;
	s0 =	rddreg [dreg:$0x6]  }
0xf7: {  	s0 =	sadd.s32 @!p0 $0x100000, s0  }
0xf8: {  	[sflag:s0] =	ssyncadd.tile.s32 @!p0 $0x1;
	_ =	shalt  }
.Lfunc_end2:
_tile_overlayer_lowered:
.L_overlay_start_2:
0xf9: {  	(tag) =	ssettag $0x2  }
0xfa: {  	s0 =	rddreg [dreg:$0x0];
	s2 =	stileid.u32  }
0xfb: {  	s1 =	rddreg [dreg:$0x1];
	p0 =	sne.s32 s2, $0x0  }
0xfc: {  	s3 =	rddreg [dreg:$0x2];
	[bflag:$0x3] =	sbarrier.arrive $0xFFFF;
	s2 =	simm.s32 @!p0 $0x1C05  }
0xfd: {  	[timem:s3], [sflag:s2] =	dma.local @!p0 [hbm:s0], s1  }
0xfe: {  	s0 =	simm.s32 @!p0 $0x5  }
0xff: {  	_ =	swait.ge @!p0 [sflag:s0], s1  }
0x100: {  	s1 =	ssub.s32 @!p0 $0x0, s1;
	[sflag:s0] =	ssyncset.done @!p0 $0x0  }
0x101: {  	[sflag:s0] =	ssyncadd.s32 @!p0 s1  }
0x102: {  	[bflag:$0x3] =	sbarrier.arrive $0xFFFF  }
0x103: {  	_ =	shalt  }

</sc_bundles>
